<compile_context>
chip_gen: v7x
topology: tpu7x:2x2x1
jax: 0.10.2.dev20260603
libtpu: 0.0.44.dev20260713+nightly
codegen_flags: <defaults>
</compile_context>

<pallas_src>
import functools

import jax
import jax.numpy as jnp
from jax import lax
from jax.experimental import pallas as pl
from jax.experimental.pallas import tpu as pltpu

TOPK = 50
TOPP = 0.9
NEG = float("-inf")
GMAX = 64
RSEL = 8
RAPP = 8


def _select_kernel(x_ref, s_ref, a_ref, *, nrows, ncols, nr):
    x = x_ref[...]
    a_ref[...] = x
    row_iota = lax.broadcasted_iota(jnp.int32, (nr, TOPK, ncols), 1)

    def cond1(st):
        _, _, r, done = st
        return jnp.logical_and(r < TOPK, jnp.sum(done) < nr)

    def body1(st):
        vals, cnts, r, done = st
        a = a_ref[...]
        cm = jnp.max(a, axis=1, keepdims=True)
        lane_valid = cm > NEG
        eq = jnp.logical_and(a == cm, lane_valid)
        cnt = jnp.sum(eq.astype(jnp.float32), axis=1, keepdims=True)
        cmv = jnp.where(lane_valid, cm, NEG)
        vals = jnp.where(row_iota == r, cmv, vals)
        cnts = jnp.where(row_iota == r, cnt, cnts)
        a = jnp.where(eq, NEG, a)
        a_ref[...] = a
        m_next = jnp.max(a, axis=(1, 2), keepdims=True)
        above = jnp.sum(
            jnp.where(vals > m_next, cnts, 0.0), axis=(1, 2), keepdims=True
        )
        done = (above >= TOPK).astype(jnp.float32)
        return vals, cnts, r + 1, done

    vals0 = jnp.full((nr, TOPK, ncols), NEG, dtype=jnp.float32)
    cnts0 = jnp.zeros((nr, TOPK, ncols), dtype=jnp.float32)
    done0 = jnp.zeros((nr, 1, 1), dtype=jnp.float32)
    vals, cnts, _, _ = lax.while_loop(
        cond1, body1, (vals0, cnts0, jnp.int32(0), done0)
    )

    giota = lax.broadcasted_iota(jnp.int32, (nr, 1, GMAX), 2)

    def cond2(st):
        _, _, _, j, tot = st
        return jnp.logical_and(jnp.any(tot < TOPK), j < GMAX)

    def body2(st):
        v, gv, gc, j, tot = st
        active = tot < TOPK
        m = jnp.max(v, axis=(1, 2), keepdims=True)
        c = jnp.sum(
            jnp.where(v == m, cnts, 0.0), axis=(1, 2), keepdims=True
        )
        rec = jnp.logical_and(giota == j, active)
        gv = jnp.where(rec, m, gv)
        gc = jnp.where(rec, c, gc)
        v = jnp.where(jnp.logical_and(v == m, active), NEG, v)
        return v, gv, gc, j + 1, tot + jnp.where(active, c, 0.0)

    gv0 = jnp.full((nr, 1, GMAX), NEG, dtype=jnp.float32)
    gc0 = jnp.zeros((nr, 1, GMAX), dtype=jnp.float32)
    tot0 = jnp.zeros((nr, 1, 1), dtype=jnp.float32)
    _, gv, gc, _, _ = lax.while_loop(
        cond2, body2, (vals, gv0, gc0, jnp.int32(0), tot0)
    )

    gvalid = gc > 0.0
    m_top = jnp.max(gv, axis=2, keepdims=True)
    w = jnp.where(gvalid, jnp.exp(gv - m_top), 0.0)
    mass = gc * w
    s_total = jnp.sum(mass, axis=2, keepdims=True)
    tri = (
        lax.broadcasted_iota(jnp.int32, (GMAX, GMAX), 0)
        <= lax.broadcasted_iota(jnp.int32, (GMAX, GMAX), 1)
    ).astype(jnp.float32)
    cum = jnp.dot(
        mass.reshape(nr, GMAX), tri, preferred_element_type=jnp.float32
    ).reshape(nr, 1, GMAX)
    prev = cum - mass
    thr = TOPP * s_total
    nk = jnp.floor((thr - prev) / w) + 1.0
    nk = jnp.where(w > 0.0, nk, jnp.where(prev <= thr, gc, 0.0))
    nk = jnp.where(gvalid, jnp.clip(nk, 0.0, gc), 0.0)
    kept = nk >= 1.0
    t_p = jnp.min(
        jnp.where(kept, gv, jnp.inf), axis=2, keepdims=True
    )
    n_at = jnp.sum(
        jnp.where(jnp.logical_and(kept, gv == t_p), nk, 0.0),
        axis=2,
        keepdims=True,
    )
    c_at = jnp.sum(jnp.where(gv == t_p, gc, 0.0), axis=2, keepdims=True)
    lse = m_top + jnp.log(jnp.sum(nk * w, axis=2, keepdims=True))

    split = n_at < c_at

    def icut_split():
        eq = x == t_p
        eqf = eq.astype(jnp.float32)
        tri_c = (
            lax.broadcasted_iota(jnp.int32, (ncols, ncols), 0)
            <= lax.broadcasted_iota(jnp.int32, (ncols, ncols), 1)
        ).astype(jnp.float32)
        incol = jnp.stack(
            [
                jnp.dot(eqf[i], tri_c, preferred_element_type=jnp.float32)
                for i in range(nr)
            ],
            axis=0,
        )
        rowtot = jnp.sum(eqf, axis=2)
        tri_r = (
            lax.broadcasted_iota(jnp.int32, (nrows, nrows), 0)
            < lax.broadcasted_iota(jnp.int32, (nrows, nrows), 1)
        ).astype(jnp.float32)
        rowprev = jnp.dot(
            rowtot, tri_r, preferred_element_type=jnp.float32
        ).reshape(nr, nrows, 1)
        pc = incol + rowprev
        hit = jnp.logical_and(eq, pc == n_at)
        flat = lax.broadcasted_iota(
            jnp.int32, (nr, nrows, ncols), 1
        ) * ncols + lax.broadcasted_iota(jnp.int32, (nr, nrows, ncols), 2)
        icr = jnp.max(
            jnp.where(hit, flat, -1), axis=(1, 2), keepdims=True
        )
        return jnp.where(split, icr, 2**30)

    icut = lax.cond(
        jnp.any(split), icut_split, lambda: jnp.full((nr, 1, 1), 2**30, jnp.int32)
    )

    li = lax.broadcasted_iota(jnp.int32, (nr, 1, 128), 2)
    out = jnp.where(
        li == 0,
        t_p,
        jnp.where(li == 1, lse, jnp.where(li == 2, icut.astype(jnp.float32), 0.0)),
    )
    s_ref[...] = out


def _apply_kernel(x_ref, s_ref, o_ref):
    x = x_ref[...]
    s = s_ref[...]
    t_p = s[:, 0, 0:1]
    lse = s[:, 0, 1:2]
    icut = s[:, 0, 2:3].astype(jnp.int32)
    vi = lax.broadcasted_iota(jnp.int32, x.shape, 1)
    keep = jnp.logical_or(x > t_p, jnp.logical_and(x == t_p, vi <= icut))
    o_ref[...] = jnp.where(keep, x - lse, NEG)


@jax.jit
def kernel(logits):
    b, h, v = logits.shape
    n = b * h
    vp = ((v + 127) // 128) * 128
    nrows = vp // 128
    x2 = logits.reshape(n, v)
    xp = jnp.pad(x2, ((0, 0), (0, vp - v)), constant_values=NEG)
    xp = xp.reshape(n, nrows, 128)

    rs = RSEL if n % RSEL == 0 else 1
    scal = pl.pallas_call(
        functools.partial(_select_kernel, nrows=nrows, ncols=128, nr=rs),
        grid=(n // rs,),
        in_specs=[pl.BlockSpec((rs, nrows, 128), lambda i: (i, 0, 0))],
        out_specs=pl.BlockSpec((rs, 1, 128), lambda i: (i, 0, 0)),
        out_shape=jax.ShapeDtypeStruct((n, 1, 128), jnp.float32),
        scratch_shapes=[pltpu.VMEM((rs, nrows, 128), jnp.float32)],
    )(xp)

    rb = RAPP if n % RAPP == 0 else 1
    out = pl.pallas_call(
        _apply_kernel,
        grid=(n // rb,),
        in_specs=[
            pl.BlockSpec((rb, v), lambda i: (i, 0)),
            pl.BlockSpec((rb, 1, 128), lambda i: (i, 0, 0)),
        ],
        out_specs=pl.BlockSpec((rb, v), lambda i: (i, 0)),
        out_shape=jax.ShapeDtypeStruct((n, v), jnp.float32),
    )(x2, scal)
    return out.reshape(b, h, v)

# --- scband reference (transcript-rebuilt; emitter-appended) ---
"""Pipeline reference for scband-softmax-categorical-head-55903294325410 (READ-ONLY COPY).

The authoritative reference and input builder live on the scoring server;
editing this copy changes nothing except your own understanding.
"""

import jax, jax.numpy as jnp
import numpy as np

TEMPERATURE = 1.0
TOP_K = 50
TOP_P = 0.9
FILTER_VALUE = -jnp.inf


def top_k_top_p_filtering(logits, top_k=TOP_K, top_p=TOP_P):
    if top_k > 0:
        k = min(max(top_k, 1), logits.shape[-1])
        kth = jax.lax.top_k(logits, k)[0][..., -1:]
        logits = jnp.where(logits < kth, FILTER_VALUE, logits)
    if 0 < top_p <= 1.0:
        # sort descending (torch.sort(descending=True))
        sorted_idx = jnp.argsort(-logits, axis=-1)
        sorted_logits = jnp.take_along_axis(logits, sorted_idx, axis=-1)
        cumulative_probs = jnp.cumsum(jax.nn.softmax(sorted_logits, axis=-1), axis=-1)
        sorted_remove = cumulative_probs > top_p
        # shift right by one, always keep the top token
        sorted_remove = jnp.concatenate([jnp.zeros_like(sorted_remove[..., :1]), sorted_remove[..., :-1]], axis=-1)
        # torch scatter(dim=2, index=sorted_indices, src=sorted_remove) == gather with inverse permutation
        inv_perm = jnp.argsort(sorted_idx, axis=-1)
        indices_to_remove = jnp.take_along_axis(sorted_remove, inv_perm, axis=-1)
        logits = jnp.where(indices_to_remove, FILTER_VALUE, logits)
    return logits


def setup_inputs(seed: int = 0) -> dict:
    key = jax.random.key(seed)
    logits = jax.random.normal(key, (32, 8, 100000), dtype=jnp.float32)
    return {"logits": logits}


def reference(logits):
    x = logits / TEMPERATURE
    x = top_k_top_p_filtering(x, TOP_K, TOP_P)
    # torch.distributions.Categorical(logits=x) stores normalized log-probs
    log_probs = x - jax.nn.logsumexp(x, axis=-1, keepdims=True)
    return log_probs

if __name__ == "__main__":
    import jax
    _d = setup_inputs()
    print(jax.jit(kernel)(*tuple(_d.values())))

</pallas_src>

<mosaic_0001>
module attributes {stable_mosaic.version = 14 : i64} {
  func.func @_select_kernel(%arg0: i32, %arg1: memref<8x782x128xf32, #tpu.memory_space<vmem>>, %arg2: memref<8x1x128xf32, #tpu.memory_space<vmem>>, %arg3: memref<8x782x128xf32, #tpu.memory_space<vmem>>) attributes {dimension_semantics = [#tpu.dimension_semantics<arbitrary>], iteration_bounds = array<i64: 32>, scalar_prefetch = 0 : i64, scratch_operands = 1 : i64, tpu.core_type = #tpu.core_type<tc>, window_params = [{transform_indices = @transform_0, window_bounds = array<i64: 8, 782, 128>}, {transform_indices = @transform_1, window_bounds = array<i64: 8, 1, 128>}]} {
    %get3A = arith.constant 0 : index
    %get3A_0 = arith.constant 0 : index
    %get3A_1 = arith.constant 0 : index
    %get3A_2 = vector.load %arg1[%get3A, %get3A_0, %get3A_1] : memref<8x782x128xf32, #tpu.memory_space<vmem>>, vector<8x782x128xf32>
    %swap3A = arith.constant 0 : index
    %swap3A_3 = arith.constant 0 : index
    %swap3A_4 = arith.constant 0 : index
    %swap3A_5 = vector.load %arg3[%swap3A, %swap3A_3, %swap3A_4] : memref<8x782x128xf32, #tpu.memory_space<vmem>>, vector<8x782x128xf32>
    tpu.vector_store %arg3[%swap3A, %swap3A_3, %swap3A_4], %get3A_2 {strides = array<i32>} : memref<8x782x128xf32, #tpu.memory_space<vmem>>, vector<8x782x128xf32>,
    %iota3A = tpu.iota {dimensions = array<i32: 1>} : vector<8x50x128xi32>
    %broadcast_in_dim3A = arith.constant 0xFF800000 : f32
    %broadcast_in_dim3A_6 = vector.broadcast %broadcast_in_dim3A : f32 to vector<8x50x128xf32>
    %broadcast_in_dim3A_7 = arith.constant 0.000000e+00 : f32
    %broadcast_in_dim3A_8 = vector.broadcast %broadcast_in_dim3A_7 : f32 to vector<8x50x128xf32>
    %broadcast_in_dim3A_9 = arith.constant 0.000000e+00 : f32
    %broadcast_in_dim3A_10 = vector.broadcast %broadcast_in_dim3A_9 : f32 to vector<8x1x1xf32>
    %while3A = arith.constant 0 : i32
    %while3A_11:4 = scf.while (%while3A_123 = %broadcast_in_dim3A_6, %while3A_124 = %broadcast_in_dim3A_8, %while3A_125 = %while3A, %while3A_126 = %broadcast_in_dim3A_10) : (vector<8x50x128xf32>, vector<8x50x128xf32>, i32, vector<8x1x1xf32>) -> (vector<8x50x128xf32>, vector<8x50x128xf32>, i32, vector<8x1x1xf32>) {
      %lt3A_127 = arith.constant 50 : i32
      %lt3A_128 = arith.cmpi slt, %while3A_125, %lt3A_127 : i32
      %reduce_sum3A_129 = vector.shape_cast %while3A_126 : vector<8x1x1xf32> to vector<1x8x1x1xf32>
      %reduce_sum3A_130 = arith.constant dense<0.000000e+00> : vector<1xf32>
      %reduce_sum3A_131 = vector.multi_reduction <add>, %reduce_sum3A_129, %reduce_sum3A_130 [1, 2, 3] : vector<1x8x1x1xf32> to vector<1xf32>
      %reduce_sum3A_132 = vector.shape_cast %reduce_sum3A_131 : vector<1xf32> to vector<1x1x1x1xf32>
      %reduce_sum3A_133 = vector.extract %reduce_sum3A_132[0, 0, 0, 0] : f32 from vector<1x1x1x1xf32>
      %lt3A_134 = arith.constant 8.000000e+00 : f32
      %lt3A_135 = arith.cmpf olt, %reduce_sum3A_133, %lt3A_134 : f32
      %and3A_136 = arith.andi %lt3A_128, %lt3A_135 : i1
      scf.condition(%and3A_136) %while3A_123, %while3A_124, %while3A_125, %while3A_126 : vector<8x50x128xf32>, vector<8x50x128xf32>, i32, vector<8x1x1xf32>
    } do {
    ^bb0(%while3A_123: vector<8x50x128xf32>, %while3A_124: vector<8x50x128xf32>, %while3A_125: i32, %while3A_126: vector<8x1x1xf32>):
      %get3A_127 = arith.constant 0 : index
      %get3A_128 = arith.constant 0 : index
      %get3A_129 = arith.constant 0 : index
      %get3A_130 = vector.load %arg3[%get3A_127, %get3A_128, %get3A_129] : memref<8x782x128xf32, #tpu.memory_space<vmem>>, vector<8x782x128xf32>
      %reduce_max3A_131 = arith.constant dense<0xFF800000> : vector<8x128xf32>
      %reduce_max3A_132 = vector.multi_reduction <maximumf>, %get3A_130, %reduce_max3A_131 [1] : vector<8x782x128xf32> to vector<8x128xf32>
      %broadcast_in_dim3A_133 = vector.shape_cast %reduce_max3A_132 : vector<8x128xf32> to vector<8x1x128xf32>
      %gt3A_134 = arith.constant 0xFF800000 : f32
      %gt3A_135 = vector.broadcast %gt3A_134 : f32 to vector<8x1x128xf32>
      %gt3A_136 = arith.cmpf ogt, %broadcast_in_dim3A_133, %gt3A_135 : vector<8x1x128xf32>
      %eq3A_137 = vector.broadcast %broadcast_in_dim3A_133 : vector<8x1x128xf32> to vector<8x782x128xf32>
      %eq3A_138 = arith.cmpf oeq, %get3A_130, %eq3A_137 : vector<8x782x128xf32>
      %and3A_139 = vector.broadcast %gt3A_136 : vector<8x1x128xi1> to vector<8x782x128xi1>
      %and3A_140 = arith.andi %eq3A_138, %and3A_139 : vector<8x782x128xi1>
      %convert_element_type3A_141 = arith.extui %and3A_140 : vector<8x782x128xi1> to vector<8x782x128xi32>
      %convert_element_type3A_142 = arith.sitofp %convert_element_type3A_141 : vector<8x782x128xi32> to vector<8x782x128xf32>
      %reduce_sum3A_143 = arith.constant dense<0.000000e+00> : vector<8x128xf32>
      %reduce_sum3A_144 = vector.multi_reduction <add>, %convert_element_type3A_142, %reduce_sum3A_143 [1] : vector<8x782x128xf32> to vector<8x128xf32>
      %broadcast_in_dim3A_145 = vector.shape_cast %reduce_sum3A_144 : vector<8x128xf32> to vector<8x1x128xf32>
      %jit3A_146 = arith.constant 0xFF800000 : f32
      %broadcast_in_dim3A_147 = vector.broadcast %jit3A_146 : f32 to vector<8x1x128xf32>
      %select_n3A_148 = arith.select %gt3A_136, %broadcast_in_dim3A_133, %broadcast_in_dim3A_147 : vector<8x1x128xi1>, vector<8x1x128xf32>
      %eq3A_149 = vector.broadcast %while3A_125 : i32 to vector<8x50x128xi32>
      %eq3A_150 = arith.cmpi eq, %iota3A, %eq3A_149 : vector<8x50x128xi32>
      %broadcast_in_dim3A_151 = vector.shape_cast %select_n3A_148 : vector<8x1x128xf32> to vector<8x1x128xf32>
      %broadcast_in_dim3A_152 = vector.broadcast %broadcast_in_dim3A_151 : vector<8x1x128xf32> to vector<8x50x128xf32>
      %select_n3A_153 = arith.select %eq3A_150, %broadcast_in_dim3A_152, %while3A_123 : vector<8x50x128xi1>, vector<8x50x128xf32>
      %eq3A_154 = vector.broadcast %while3A_125 : i32 to vector<8x50x128xi32>
      %eq3A_155 = arith.cmpi eq, %iota3A, %eq3A_154 : vector<8x50x128xi32>
      %broadcast_in_dim3A_156 = vector.shape_cast %broadcast_in_dim3A_145 : vector<8x1x128xf32> to vector<8x1x128xf32>
      %broadcast_in_dim3A_157 = vector.broadcast %broadcast_in_dim3A_156 : vector<8x1x128xf32> to vector<8x50x128xf32>
      %select_n3A_158 = arith.select %eq3A_155, %broadcast_in_dim3A_157, %while3A_124 : vector<8x50x128xi1>, vector<8x50x128xf32>
      %jit3A_159 = arith.constant 0xFF800000 : f32
      %broadcast_in_dim3A_160 = vector.broadcast %jit3A_159 : f32 to vector<8x782x128xf32>
      %select_n3A_161 = arith.select %and3A_140, %broadcast_in_dim3A_160, %get3A_130 : vector<8x782x128xi1>, vector<8x782x128xf32>
      %swap3A_162 = arith.constant 0 : index
      %swap3A_163 = arith.constant 0 : index
      %swap3A_164 = arith.constant 0 : index
      %swap3A_165 = vector.load %arg3[%swap3A_162, %swap3A_163, %swap3A_164] : memref<8x782x128xf32, #tpu.memory_space<vmem>>, vector<8x782x128xf32>
      tpu.vector_store %arg3[%swap3A_162, %swap3A_163, %swap3A_164], %select_n3A_161 {strides = array<i32>} : memref<8x782x128xf32, #tpu.memory_space<vmem>>, vector<8x782x128xf32>,
      %reduce_max3A_166 = arith.constant dense<0xFF800000> : vector<8xf32>
      %reduce_max3A_167 = vector.multi_reduction <maximumf>, %select_n3A_161, %reduce_max3A_166 [1, 2] : vector<8x782x128xf32> to vector<8xf32>
      %broadcast_in_dim3A_168 = vector.shape_cast %reduce_max3A_167 : vector<8xf32> to vector<8x1x1xf32>
      %gt3A_169 = vector.broadcast %broadcast_in_dim3A_168 : vector<8x1x1xf32> to vector<8x50x128xf32>
      %gt3A_170 = arith.cmpf ogt, %select_n3A_153, %gt3A_169 : vector<8x50x128xf32>
      %jit3A_171 = arith.constant 0.000000e+00 : f32
      %broadcast_in_dim3A_172 = vector.broadcast %jit3A_171 : f32 to vector<8x50x128xf32>
      %select_n3A_173 = arith.select %gt3A_170, %select_n3A_158, %broadcast_in_dim3A_172 : vector<8x50x128xi1>, vector<8x50x128xf32>
      %reduce_sum3A_174 = arith.constant dense<0.000000e+00> : vector<8xf32>
      %reduce_sum3A_175 = vector.multi_reduction <add>, %select_n3A_173, %reduce_sum3A_174 [1, 2] : vector<8x50x128xf32> to vector<8xf32>
      %broadcast_in_dim3A_176 = vector.shape_cast %reduce_sum3A_175 : vector<8xf32> to vector<8x1x1xf32>
      %ge3A_177 = arith.constant 5.000000e+01 : f32
      %ge3A_178 = vector.broadcast %ge3A_177 : f32 to vector<8x1x1xf32>
      %ge3A_179 = arith.cmpf oge, %broadcast_in_dim3A_176, %ge3A_178 : vector<8x1x1xf32>
      %convert_element_type3A_180 = arith.extui %ge3A_179 : vector<8x1x1xi1> to vector<8x1x1xi32>
      %convert_element_type3A_181 = arith.sitofp %convert_element_type3A_180 : vector<8x1x1xi32> to vector<8x1x1xf32>
      %add3A_182 = arith.constant 1 : i32
      %add3A_183 = arith.addi %while3A_125, %add3A_182 : i32
      scf.yield %select_n3A_153, %select_n3A_158, %add3A_183, %convert_element_type3A_181 : vector<8x50x128xf32>, vector<8x50x128xf32>, i32, vector<8x1x1xf32>
    }
    %iota3A_12 = tpu.iota {dimensions = array<i32: 2>} : vector<8x1x64xi32>
    %broadcast_in_dim3A_13 = arith.constant 0xFF800000 : f32
    %broadcast_in_dim3A_14 = vector.broadcast %broadcast_in_dim3A_13 : f32 to vector<8x1x64xf32>
    %broadcast_in_dim3A_15 = arith.constant 0.000000e+00 : f32
    %broadcast_in_dim3A_16 = vector.broadcast %broadcast_in_dim3A_15 : f32 to vector<8x1x64xf32>
    %broadcast_in_dim3A_17 = arith.constant 0.000000e+00 : f32
    %broadcast_in_dim3A_18 = vector.broadcast %broadcast_in_dim3A_17 : f32 to vector<8x1x1xf32>
    %while3A_19 = arith.constant 0 : i32
    %while3A_20:5 = scf.while (%while3A_123 = %while3A_11#0, %while3A_124 = %broadcast_in_dim3A_14, %while3A_125 = %broadcast_in_dim3A_16, %while3A_126 = %while3A_19, %while3A_127 = %broadcast_in_dim3A_18) : (vector<8x50x128xf32>, vector<8x1x64xf32>, vector<8x1x64xf32>, i32, vector<8x1x1xf32>) -> (vector<8x50x128xf32>, vector<8x1x64xf32>, vector<8x1x64xf32>, i32, vector<8x1x1xf32>) {
      %lt3A_128 = arith.constant 5.000000e+01 : f32
      %lt3A_129 = vector.broadcast %lt3A_128 : f32 to vector<8x1x1xf32>
      %lt3A_130 = arith.cmpf olt, %while3A_127, %lt3A_129 : vector<8x1x1xf32>
      %reduce_or3A_131 = arith.constant 1.000000e+00 : f32
      %reduce_or3A_132 = arith.constant 0.000000e+00 : f32
      %reduce_or3A_133 = vector.broadcast %reduce_or3A_131 : f32 to vector<8x1x1xf32>
      %reduce_or3A_134 = vector.broadcast %reduce_or3A_132 : f32 to vector<8x1x1xf32>
      %reduce_or3A_135 = arith.select %lt3A_130, %reduce_or3A_133, %reduce_or3A_134 : vector<8x1x1xi1>, vector<8x1x1xf32>
      %reduce_or3A_136 = vector.shape_cast %reduce_or3A_135 : vector<8x1x1xf32> to vector<1x8x1x1xf32>
      %reduce_or3A_137 = arith.constant dense<0xFF800000> : vector<1xf32>
      %reduce_or3A_138 = vector.multi_reduction <maximumf>, %reduce_or3A_136, %reduce_or3A_137 [1, 2, 3] : vector<1x8x1x1xf32> to vector<1xf32>
      %reduce_or3A_139 = vector.shape_cast %reduce_or3A_138 : vector<1xf32> to vector<1x1x1x1xf32>
      %reduce_or3A_140 = vector.extract %reduce_or3A_139[0, 0, 0, 0] : f32 from vector<1x1x1x1xf32>
      %reduce_or3A_141 = arith.constant 0.000000e+00 : f32
      %reduce_or3A_142 = arith.cmpf ogt, %reduce_or3A_140, %reduce_or3A_141 : f32
      %lt3A_143 = arith.constant 64 : i32
      %lt3A_144 = arith.cmpi slt, %while3A_126, %lt3A_143 : i32
      %and3A_145 = arith.andi %reduce_or3A_142, %lt3A_144 : i1
      scf.condition(%and3A_145) %while3A_123, %while3A_124, %while3A_125, %while3A_126, %while3A_127 : vector<8x50x128xf32>, vector<8x1x64xf32>, vector<8x1x64xf32>, i32, vector<8x1x1xf32>
    } do {
    ^bb0(%while3A_123: vector<8x50x128xf32>, %while3A_124: vector<8x1x64xf32>, %while3A_125: vector<8x1x64xf32>, %while3A_126: i32, %while3A_127: vector<8x1x1xf32>):
      %lt3A_128 = arith.constant 5.000000e+01 : f32
      %lt3A_129 = vector.broadcast %lt3A_128 : f32 to vector<8x1x1xf32>
      %lt3A_130 = arith.cmpf olt, %while3A_127, %lt3A_129 : vector<8x1x1xf32>
      %reduce_max3A_131 = arith.constant dense<0xFF800000> : vector<8xf32>
      %reduce_max3A_132 = vector.multi_reduction <maximumf>, %while3A_123, %reduce_max3A_131 [1, 2] : vector<8x50x128xf32> to vector<8xf32>
      %broadcast_in_dim3A_133 = vector.shape_cast %reduce_max3A_132 : vector<8xf32> to vector<8x1x1xf32>
      %eq3A_134 = vector.broadcast %broadcast_in_dim3A_133 : vector<8x1x1xf32> to vector<8x50x128xf32>
      %eq3A_135 = arith.cmpf oeq, %while3A_123, %eq3A_134 : vector<8x50x128xf32>
      %jit3A_136 = arith.constant 0.000000e+00 : f32
      %broadcast_in_dim3A_137 = vector.broadcast %jit3A_136 : f32 to vector<8x50x128xf32>
      %select_n3A_138 = arith.select %eq3A_135, %while3A_11#1, %broadcast_in_dim3A_137 : vector<8x50x128xi1>, vector<8x50x128xf32>
      %reduce_sum3A_139 = arith.constant dense<0.000000e+00> : vector<8xf32>
      %reduce_sum3A_140 = vector.multi_reduction <add>, %select_n3A_138, %reduce_sum3A_139 [1, 2] : vector<8x50x128xf32> to vector<8xf32>
      %broadcast_in_dim3A_141 = vector.shape_cast %reduce_sum3A_140 : vector<8xf32> to vector<8x1x1xf32>
      %eq3A_142 = vector.broadcast %while3A_126 : i32 to vector<8x1x64xi32>
      %eq3A_143 = arith.cmpi eq, %iota3A_12, %eq3A_142 : vector<8x1x64xi32>
      %and3A_144 = vector.broadcast %lt3A_130 : vector<8x1x1xi1> to vector<8x1x64xi1>
      %and3A_145 = arith.andi %eq3A_143, %and3A_144 : vector<8x1x64xi1>
      %broadcast_in_dim3A_146 = vector.shape_cast %broadcast_in_dim3A_133 : vector<8x1x1xf32> to vector<8x1x1xf32>
      %broadcast_in_dim3A_147 = vector.broadcast %broadcast_in_dim3A_146 : vector<8x1x1xf32> to vector<8x1x64xf32>
      %select_n3A_148 = arith.select %and3A_145, %broadcast_in_dim3A_147, %while3A_124 : vector<8x1x64xi1>, vector<8x1x64xf32>
      %broadcast_in_dim3A_149 = vector.shape_cast %broadcast_in_dim3A_141 : vector<8x1x1xf32> to vector<8x1x1xf32>
      %broadcast_in_dim3A_150 = vector.broadcast %broadcast_in_dim3A_149 : vector<8x1x1xf32> to vector<8x1x64xf32>
      %select_n3A_151 = arith.select %and3A_145, %broadcast_in_dim3A_150, %while3A_125 : vector<8x1x64xi1>, vector<8x1x64xf32>
      %eq3A_152 = vector.broadcast %broadcast_in_dim3A_133 : vector<8x1x1xf32> to vector<8x50x128xf32>
      %eq3A_153 = arith.cmpf oeq, %while3A_123, %eq3A_152 : vector<8x50x128xf32>
      %and3A_154 = vector.broadcast %lt3A_130 : vector<8x1x1xi1> to vector<8x50x128xi1>
      %and3A_155 = arith.andi %eq3A_153, %and3A_154 : vector<8x50x128xi1>
      %jit3A_156 = arith.constant 0xFF800000 : f32
      %broadcast_in_dim3A_157 = vector.broadcast %jit3A_156 : f32 to vector<8x50x128xf32>
      %select_n3A_158 = arith.select %and3A_155, %broadcast_in_dim3A_157, %while3A_123 : vector<8x50x128xi1>, vector<8x50x128xf32>
      %add3A_159 = arith.constant 1 : i32
      %add3A_160 = arith.addi %while3A_126, %add3A_159 : i32
      %jit3A_161 = arith.constant 0.000000e+00 : f32
      %broadcast_in_dim3A_162 = vector.broadcast %jit3A_161 : f32 to vector<8x1x1xf32>
      %select_n3A_163 = arith.select %lt3A_130, %broadcast_in_dim3A_141, %broadcast_in_dim3A_162 : vector<8x1x1xi1>, vector<8x1x1xf32>
      %add3A_164 = arith.addf %while3A_127, %select_n3A_163 : vector<8x1x1xf32>
      scf.yield %select_n3A_158, %select_n3A_148, %select_n3A_151, %add3A_160, %add3A_164 : vector<8x50x128xf32>, vector<8x1x64xf32>, vector<8x1x64xf32>, i32, vector<8x1x1xf32>
    }
    %gt3A = arith.constant 0.000000e+00 : f32
    %gt3A_21 = vector.broadcast %gt3A : f32 to vector<8x1x64xf32>
    %gt3A_22 = arith.cmpf ogt, %while3A_20#2, %gt3A_21 : vector<8x1x64xf32>
    %reduce_max3A = arith.constant dense<0xFF800000> : vector<8x1xf32>
    %reduce_max3A_23 = vector.multi_reduction <maximumf>, %while3A_20#1, %reduce_max3A [2] : vector<8x1x64xf32> to vector<8x1xf32>
    %broadcast_in_dim3A_24 = vector.shape_cast %reduce_max3A_23 : vector<8x1xf32> to vector<8x1x1xf32>
    %sub3A = vector.broadcast %broadcast_in_dim3A_24 : vector<8x1x1xf32> to vector<8x1x64xf32>
    %sub3A_25 = arith.subf %while3A_20#1, %sub3A : vector<8x1x64xf32>
    %exp3A = math.exp %sub3A_25 : vector<8x1x64xf32>
    %jit3A = arith.constant 0.000000e+00 : f32
    %broadcast_in_dim3A_26 = vector.broadcast %jit3A : f32 to vector<8x1x64xf32>
    %select_n3A = arith.select %gt3A_22, %exp3A, %broadcast_in_dim3A_26 : vector<8x1x64xi1>, vector<8x1x64xf32>
    %mul3A = arith.mulf %while3A_20#2, %select_n3A : vector<8x1x64xf32>
    %reduce_sum3A = arith.constant dense<0.000000e+00> : vector<8x1xf32>
    %reduce_sum3A_27 = vector.multi_reduction <add>, %mul3A, %reduce_sum3A [2] : vector<8x1x64xf32> to vector<8x1xf32>
    %broadcast_in_dim3A_28 = vector.shape_cast %reduce_sum3A_27 : vector<8x1xf32> to vector<8x1x1xf32>
    %iota3A_29 = tpu.iota {dimensions = array<i32: 0>} : vector<64x64xi32>
    %iota3A_30 = tpu.iota {dimensions = array<i32: 1>} : vector<64x64xi32>
    %le3A = arith.cmpi sle, %iota3A_29, %iota3A_30 : vector<64x64xi32>
    %convert_element_type3A = arith.extui %le3A : vector<64x64xi1> to vector<64x64xi32>
    %convert_element_type3A_31 = arith.sitofp %convert_element_type3A : vector<64x64xi32> to vector<64x64xf32>
    %reshape3A = vector.shape_cast %mul3A : vector<8x1x64xf32> to vector<8x64xf32>
    %dot_general3A = arith.constant dense<0.000000e+00> : vector<8x64xf32>
    %dot_general3A_32 = tpu.matmul %reshape3A, %convert_element_type3A_31, %dot_general3A {dimension_numbers = #tpu.dot_dimension_numbers<[1], [0], [0], [1], [0, 0, 1, 1], [], []>, transpose_lhs_hint = false} : vector<8x64xf32>, vector<64x64xf32>, vector<8x64xf32> -> vector<8x64xf32>
    %reshape3A_33 = vector.shape_cast %dot_general3A_32 : vector<8x64xf32> to vector<8x1x64xf32>
    %sub3A_34 = arith.subf %reshape3A_33, %mul3A : vector<8x1x64xf32>
    %mul3A_35 = arith.constant 0.899999976 : f32
    %mul3A_36 = vector.broadcast %mul3A_35 : f32 to vector<8x1x1xf32>
    %mul3A_37 = arith.mulf %mul3A_36, %broadcast_in_dim3A_28 : vector<8x1x1xf32>
    %sub3A_38 = vector.broadcast %mul3A_37 : vector<8x1x1xf32> to vector<8x1x64xf32>
    %sub3A_39 = arith.subf %sub3A_38, %sub3A_34 : vector<8x1x64xf32>
    %div3A = arith.divf %sub3A_39, %select_n3A : vector<8x1x64xf32>
    %floor3A = math.floor %div3A : vector<8x1x64xf32>
    %add3A = arith.constant 1.000000e+00 : f32
    %add3A_40 = vector.broadcast %add3A : f32 to vector<8x1x64xf32>
    %add3A_41 = arith.addf %floor3A, %add3A_40 : vector<8x1x64xf32>
    %gt3A_42 = arith.constant 0.000000e+00 : f32
    %gt3A_43 = vector.broadcast %gt3A_42 : f32 to vector<8x1x64xf32>
    %gt3A_44 = arith.cmpf ogt, %select_n3A, %gt3A_43 : vector<8x1x64xf32>
    %le3A_45 = vector.broadcast %mul3A_37 : vector<8x1x1xf32> to vector<8x1x64xf32>
    %le3A_46 = arith.cmpf ole, %sub3A_34, %le3A_45 : vector<8x1x64xf32>
    %jit3A_47 = arith.constant 0.000000e+00 : f32
    %broadcast_in_dim3A_48 = vector.broadcast %jit3A_47 : f32 to vector<8x1x64xf32>
    %select_n3A_49 = arith.select %le3A_46, %while3A_20#2, %broadcast_in_dim3A_48 : vector<8x1x64xi1>, vector<8x1x64xf32>
    %select_n3A_50 = arith.select %gt3A_44, %add3A_41, %select_n3A_49 : vector<8x1x64xi1>, vector<8x1x64xf32>
    %jit3A_51 = arith.constant 0.000000e+00 : f32
    %max3A = vector.broadcast %jit3A_51 : f32 to vector<8x1x64xf32>
    %max3A_52 = arith.maximumf %max3A, %select_n3A_50 : vector<8x1x64xf32>
    %min3A = arith.minimumf %while3A_20#2, %max3A_52 : vector<8x1x64xf32>
    %jit3A_53 = arith.constant 0.000000e+00 : f32
    %broadcast_in_dim3A_54 = vector.broadcast %jit3A_53 : f32 to vector<8x1x64xf32>
    %select_n3A_55 = arith.select %gt3A_22, %min3A, %broadcast_in_dim3A_54 : vector<8x1x64xi1>, vector<8x1x64xf32>
    %ge3A = arith.constant 1.000000e+00 : f32
    %ge3A_56 = vector.broadcast %ge3A : f32 to vector<8x1x64xf32>
    %ge3A_57 = arith.cmpf oge, %select_n3A_55, %ge3A_56 : vector<8x1x64xf32>
    %jit3A_58 = arith.constant 0x7F800000 : f32
    %broadcast_in_dim3A_59 = vector.broadcast %jit3A_58 : f32 to vector<8x1x64xf32>
    %select_n3A_60 = arith.select %ge3A_57, %while3A_20#1, %broadcast_in_dim3A_59 : vector<8x1x64xi1>, vector<8x1x64xf32>
    %reduce_min3A = arith.constant dense<0x7F800000> : vector<8x1xf32>
    %reduce_min3A_61 = vector.multi_reduction <minimumf>, %select_n3A_60, %reduce_min3A [2] : vector<8x1x64xf32> to vector<8x1xf32>
    %broadcast_in_dim3A_62 = vector.shape_cast %reduce_min3A_61 : vector<8x1xf32> to vector<8x1x1xf32>
    %eq3A = vector.broadcast %broadcast_in_dim3A_62 : vector<8x1x1xf32> to vector<8x1x64xf32>
    %eq3A_63 = arith.cmpf oeq, %while3A_20#1, %eq3A : vector<8x1x64xf32>
    %and3A = arith.andi %ge3A_57, %eq3A_63 : vector<8x1x64xi1>
    %jit3A_64 = arith.constant 0.000000e+00 : f32
    %broadcast_in_dim3A_65 = vector.broadcast %jit3A_64 : f32 to vector<8x1x64xf32>
    %select_n3A_66 = arith.select %and3A, %select_n3A_55, %broadcast_in_dim3A_65 : vector<8x1x64xi1>, vector<8x1x64xf32>
    %reduce_sum3A_67 = arith.constant dense<0.000000e+00> : vector<8x1xf32>
    %reduce_sum3A_68 = vector.multi_reduction <add>, %select_n3A_66, %reduce_sum3A_67 [2] : vector<8x1x64xf32> to vector<8x1xf32>
    %broadcast_in_dim3A_69 = vector.shape_cast %reduce_sum3A_68 : vector<8x1xf32> to vector<8x1x1xf32>
    %eq3A_70 = vector.broadcast %broadcast_in_dim3A_62 : vector<8x1x1xf32> to vector<8x1x64xf32>
    %eq3A_71 = arith.cmpf oeq, %while3A_20#1, %eq3A_70 : vector<8x1x64xf32>
    %jit3A_72 = arith.constant 0.000000e+00 : f32
    %broadcast_in_dim3A_73 = vector.broadcast %jit3A_72 : f32 to vector<8x1x64xf32>
    %select_n3A_74 = arith.select %eq3A_71, %while3A_20#2, %broadcast_in_dim3A_73 : vector<8x1x64xi1>, vector<8x1x64xf32>
    %reduce_sum3A_75 = arith.constant dense<0.000000e+00> : vector<8x1xf32>
    %reduce_sum3A_76 = vector.multi_reduction <add>, %select_n3A_74, %reduce_sum3A_75 [2] : vector<8x1x64xf32> to vector<8x1xf32>
    %broadcast_in_dim3A_77 = vector.shape_cast %reduce_sum3A_76 : vector<8x1xf32> to vector<8x1x1xf32>
    %mul3A_78 = arith.mulf %select_n3A_55, %select_n3A : vector<8x1x64xf32>
    %reduce_sum3A_79 = arith.constant dense<0.000000e+00> : vector<8x1xf32>
    %reduce_sum3A_80 = vector.multi_reduction <add>, %mul3A_78, %reduce_sum3A_79 [2] : vector<8x1x64xf32> to vector<8x1xf32>
    %broadcast_in_dim3A_81 = vector.shape_cast %reduce_sum3A_80 : vector<8x1xf32> to vector<8x1x1xf32>
    %log3A = math.log %broadcast_in_dim3A_81 : vector<8x1x1xf32>
    %add3A_82 = arith.addf %broadcast_in_dim3A_24, %log3A : vector<8x1x1xf32>
    %lt3A = arith.cmpf olt, %broadcast_in_dim3A_69, %broadcast_in_dim3A_77 : vector<8x1x1xf32>
    %reduce_or3A = arith.constant 1.000000e+00 : f32
    %reduce_or3A_83 = arith.constant 0.000000e+00 : f32
    %reduce_or3A_84 = vector.broadcast %reduce_or3A : f32 to vector<8x1x1xf32>
    %reduce_or3A_85 = vector.broadcast %reduce_or3A_83 : f32 to vector<8x1x1xf32>
    %reduce_or3A_86 = arith.select %lt3A, %reduce_or3A_84, %reduce_or3A_85 : vector<8x1x1xi1>, vector<8x1x1xf32>
    %reduce_or3A_87 = vector.shape_cast %reduce_or3A_86 : vector<8x1x1xf32> to vector<1x8x1x1xf32>
    %reduce_or3A_88 = arith.constant dense<0xFF800000> : vector<1xf32>
    %reduce_or3A_89 = vector.multi_reduction <maximumf>, %reduce_or3A_87, %reduce_or3A_88 [1, 2, 3] : vector<1x8x1x1xf32> to vector<1xf32>
    %reduce_or3A_90 = vector.shape_cast %reduce_or3A_89 : vector<1xf32> to vector<1x1x1x1xf32>
    %reduce_or3A_91 = vector.extract %reduce_or3A_90[0, 0, 0, 0] : f32 from vector<1x1x1x1xf32>
    %reduce_or3A_92 = arith.constant 0.000000e+00 : f32
    %reduce_or3A_93 = arith.cmpf ogt, %reduce_or3A_91, %reduce_or3A_92 : f32
    %convert_element_type3A_94 = arith.extui %reduce_or3A_93 : i1 to i32
    %cond3A = arith.constant 0 : i32
    %cond3A_95 = arith.cmpi ne, %convert_element_type3A_94, %cond3A : i32
    %cond3A_96 = scf.if %cond3A_95 -> (vector<8x1x1xi32>) {
      %eq3A_123 = vector.broadcast %broadcast_in_dim3A_62 : vector<8x1x1xf32> to vector<8x782x128xf32>
      %eq3A_124 = arith.cmpf oeq, %get3A_2, %eq3A_123 : vector<8x782x128xf32>
      %convert_element_type3A_125 = arith.extui %eq3A_124 : vector<8x782x128xi1> to vector<8x782x128xi32>
      %convert_element_type3A_126 = arith.sitofp %convert_element_type3A_125 : vector<8x782x128xi32> to vector<8x782x128xf32>
      %iota3A_127 = tpu.iota {dimensions = array<i32: 0>} : vector<128x128xi32>
      %iota3A_128 = tpu.iota {dimensions = array<i32: 1>} : vector<128x128xi32>
      %le3A_129 = arith.cmpi sle, %iota3A_127, %iota3A_128 : vector<128x128xi32>
      %convert_element_type3A_130 = arith.extui %le3A_129 : vector<128x128xi1> to vector<128x128xi32>
      %convert_element_type3A_131 = arith.sitofp %convert_element_type3A_130 : vector<128x128xi32> to vector<128x128xf32>
      %slice3A = vector.extract_strided_slice %convert_element_type3A_126 {offsets = [0, 0, 0], sizes = [1, 782, 128], strides = [1, 1, 1]} : vector<8x782x128xf32> to vector<1x782x128xf32>
      %squeeze3A = vector.shape_cast %slice3A : vector<1x782x128xf32> to vector<782x128xf32>
      %dot_general3A_132 = arith.constant dense<0.000000e+00> : vector<782x128xf32>
      %dot_general3A_133 = tpu.matmul %squeeze3A, %convert_element_type3A_131, %dot_general3A_132 {dimension_numbers = #tpu.dot_dimension_numbers<[1], [0], [0], [1], [0, 0, 1, 1], [], []>, transpose_lhs_hint = false} : vector<782x128xf32>, vector<128x128xf32>, vector<782x128xf32> -> vector<782x128xf32>
      %slice3A_134 = vector.extract_strided_slice %convert_element_type3A_126 {offsets = [1, 0, 0], sizes = [1, 782, 128], strides = [1, 1, 1]} : vector<8x782x128xf32> to vector<1x782x128xf32>
      %squeeze3A_135 = vector.shape_cast %slice3A_134 : vector<1x782x128xf32> to vector<782x128xf32>
      %dot_general3A_136 = arith.constant dense<0.000000e+00> : vector<782x128xf32>
      %dot_general3A_137 = tpu.matmul %squeeze3A_135, %convert_element_type3A_131, %dot_general3A_136 {dimension_numbers = #tpu.dot_dimension_numbers<[1], [0], [0], [1], [0, 0, 1, 1], [], []>, transpose_lhs_hint = false} : vector<782x128xf32>, vector<128x128xf32>, vector<782x128xf32> -> vector<782x128xf32>
      %slice3A_138 = vector.extract_strided_slice %convert_element_type3A_126 {offsets = [2, 0, 0], sizes = [1, 782, 128], strides = [1, 1, 1]} : vector<8x782x128xf32> to vector<1x782x128xf32>
      %squeeze3A_139 = vector.shape_cast %slice3A_138 : vector<1x782x128xf32> to vector<782x128xf32>
      %dot_general3A_140 = arith.constant dense<0.000000e+00> : vector<782x128xf32>
      %dot_general3A_141 = tpu.matmul %squeeze3A_139, %convert_element_type3A_131, %dot_general3A_140 {dimension_numbers = #tpu.dot_dimension_numbers<[1], [0], [0], [1], [0, 0, 1, 1], [], []>, transpose_lhs_hint = false} : vector<782x128xf32>, vector<128x128xf32>, vector<782x128xf32> -> vector<782x128xf32>
      %slice3A_142 = vector.extract_strided_slice %convert_element_type3A_126 {offsets = [3, 0, 0], sizes = [1, 782, 128], strides = [1, 1, 1]} : vector<8x782x128xf32> to vector<1x782x128xf32>
      %squeeze3A_143 = vector.shape_cast %slice3A_142 : vector<1x782x128xf32> to vector<782x128xf32>
      %dot_general3A_144 = arith.constant dense<0.000000e+00> : vector<782x128xf32>
      %dot_general3A_145 = tpu.matmul %squeeze3A_143, %convert_element_type3A_131, %dot_general3A_144 {dimension_numbers = #tpu.dot_dimension_numbers<[1], [0], [0], [1], [0, 0, 1, 1], [], []>, transpose_lhs_hint = false} : vector<782x128xf32>, vector<128x128xf32>, vector<782x128xf32> -> vector<782x128xf32>
      %slice3A_146 = vector.extract_strided_slice %convert_element_type3A_126 {offsets = [4, 0, 0], sizes = [1, 782, 128], strides = [1, 1, 1]} : vector<8x782x128xf32> to vector<1x782x128xf32>
      %squeeze3A_147 = vector.shape_cast %slice3A_146 : vector<1x782x128xf32> to vector<782x128xf32>
      %dot_general3A_148 = arith.constant dense<0.000000e+00> : vector<782x128xf32>
      %dot_general3A_149 = tpu.matmul %squeeze3A_147, %convert_element_type3A_131, %dot_general3A_148 {dimension_numbers = #tpu.dot_dimension_numbers<[1], [0], [0], [1], [0, 0, 1, 1], [], []>, transpose_lhs_hint = false} : vector<782x128xf32>, vector<128x128xf32>, vector<782x128xf32> -> vector<782x128xf32>
      %slice3A_150 = vector.extract_strided_slice %convert_element_type3A_126 {offsets = [5, 0, 0], sizes = [1, 782, 128], strides = [1, 1, 1]} : vector<8x782x128xf32> to vector<1x782x128xf32>
      %squeeze3A_151 = vector.shape_cast %slice3A_150 : vector<1x782x128xf32> to vector<782x128xf32>
      %dot_general3A_152 = arith.constant dense<0.000000e+00> : vector<782x128xf32>
      %dot_general3A_153 = tpu.matmul %squeeze3A_151, %convert_element_type3A_131, %dot_general3A_152 {dimension_numbers = #tpu.dot_dimension_numbers<[1], [0], [0], [1], [0, 0, 1, 1], [], []>, transpose_lhs_hint = false} : vector<782x128xf32>, vector<128x128xf32>, vector<782x128xf32> -> vector<782x128xf32>
      %slice3A_154 = vector.extract_strided_slice %convert_element_type3A_126 {offsets = [6, 0, 0], sizes = [1, 782, 128], strides = [1, 1, 1]} : vector<8x782x128xf32> to vector<1x782x128xf32>
      %squeeze3A_155 = vector.shape_cast %slice3A_154 : vector<1x782x128xf32> to vector<782x128xf32>
      %dot_general3A_156 = arith.constant dense<0.000000e+00> : vector<782x128xf32>
      %dot_general3A_157 = tpu.matmul %squeeze3A_155, %convert_element_type3A_131, %dot_general3A_156 {dimension_numbers = #tpu.dot_dimension_numbers<[1], [0], [0], [1], [0, 0, 1, 1], [], []>, transpose_lhs_hint = false} : vector<782x128xf32>, vector<128x128xf32>, vector<782x128xf32> -> vector<782x128xf32>
      %slice3A_158 = vector.extract_strided_slice %convert_element_type3A_126 {offsets = [7, 0, 0], sizes = [1, 782, 128], strides = [1, 1, 1]} : vector<8x782x128xf32> to vector<1x782x128xf32>
      %squeeze3A_159 = vector.shape_cast %slice3A_158 : vector<1x782x128xf32> to vector<782x128xf32>
      %dot_general3A_160 = arith.constant dense<0.000000e+00> : vector<782x128xf32>
      %dot_general3A_161 = tpu.matmul %squeeze3A_159, %convert_element_type3A_131, %dot_general3A_160 {dimension_numbers = #tpu.dot_dimension_numbers<[1], [0], [0], [1], [0, 0, 1, 1], [], []>, transpose_lhs_hint = false} : vector<782x128xf32>, vector<128x128xf32>, vector<782x128xf32> -> vector<782x128xf32>
      %stack3A = vector.shape_cast %dot_general3A_133 : vector<782x128xf32> to vector<1x782x128xf32>
      %stack3A_162 = vector.shape_cast %dot_general3A_137 : vector<782x128xf32> to vector<1x782x128xf32>
      %stack3A_163 = vector.shape_cast %dot_general3A_141 : vector<782x128xf32> to vector<1x782x128xf32>
      %stack3A_164 = vector.shape_cast %dot_general3A_145 : vector<782x128xf32> to vector<1x782x128xf32>
      %stack3A_165 = vector.shape_cast %dot_general3A_149 : vector<782x128xf32> to vector<1x782x128xf32>
      %stack3A_166 = vector.shape_cast %dot_general3A_153 : vector<782x128xf32> to vector<1x782x128xf32>
      %stack3A_167 = vector.shape_cast %dot_general3A_157 : vector<782x128xf32> to vector<1x782x128xf32>
      %stack3A_168 = vector.shape_cast %dot_general3A_161 : vector<782x128xf32> to vector<1x782x128xf32>
      %stack3A_169 = tpu.concatenate %stack3A, %stack3A_162, %stack3A_163, %stack3A_164, %stack3A_165, %stack3A_166, %stack3A_167, %stack3A_168 in 0 : vector<1x782x128xf32>, vector<1x782x128xf32>, vector<1x782x128xf32>, vector<1x782x128xf32>, vector<1x782x128xf32>, vector<1x782x128xf32>, vector<1x782x128xf32>, vector<1x782x128xf32> -> vector<8x782x128xf32>
      %reduce_sum3A_170 = arith.constant dense<0.000000e+00> : vector<8x782xf32>
      %reduce_sum3A_171 = vector.multi_reduction <add>, %convert_element_type3A_126, %reduce_sum3A_170 [2] : vector<8x782x128xf32> to vector<8x782xf32>
      %iota3A_172 = tpu.iota {dimensions = array<i32: 0>} : vector<782x782xi32>
      %iota3A_173 = tpu.iota {dimensions = array<i32: 1>} : vector<782x782xi32>
      %lt3A_174 = arith.cmpi slt, %iota3A_172, %iota3A_173 : vector<782x782xi32>
      %convert_element_type3A_175 = arith.extui %lt3A_174 : vector<782x782xi1> to vector<782x782xi32>
      %convert_element_type3A_176 = arith.sitofp %convert_element_type3A_175 : vector<782x782xi32> to vector<782x782xf32>
      %dot_general3A_177 = arith.constant dense<0.000000e+00> : vector<8x782xf32>
      %dot_general3A_178 = tpu.matmul %reduce_sum3A_171, %convert_element_type3A_176, %dot_general3A_177 {dimension_numbers = #tpu.dot_dimension_numbers<[1], [0], [0], [1], [0, 0, 1, 1], [], []>, transpose_lhs_hint = false} : vector<8x782xf32>, vector<782x782xf32>, vector<8x782xf32> -> vector<8x782xf32>
      %reshape3A_179 = vector.shape_cast %dot_general3A_178 : vector<8x782xf32> to vector<8x782x1xf32>
      %add3A_180 = vector.broadcast %reshape3A_179 : vector<8x782x1xf32> to vector<8x782x128xf32>
      %add3A_181 = arith.addf %stack3A_169, %add3A_180 : vector<8x782x128xf32>
      %eq3A_182 = vector.broadcast %broadcast_in_dim3A_69 : vector<8x1x1xf32> to vector<8x782x128xf32>
      %eq3A_183 = arith.cmpf oeq, %add3A_181, %eq3A_182 : vector<8x782x128xf32>
      %and3A_184 = arith.andi %eq3A_124, %eq3A_183 : vector<8x782x128xi1>
      %iota3A_185 = tpu.iota {dimensions = array<i32: 1>} : vector<8x782x128xi32>
      %mul3A_186 = arith.constant 128 : i32
      %mul3A_187 = vector.broadcast %mul3A_186 : i32 to vector<8x782x128xi32>
      %mul3A_188 = arith.muli %iota3A_185, %mul3A_187 : vector<8x782x128xi32>
      %iota3A_189 = tpu.iota {dimensions = array<i32: 2>} : vector<8x782x128xi32>
      %add3A_190 = arith.addi %mul3A_188, %iota3A_189 : vector<8x782x128xi32>
      %jit3A_191 = arith.constant -1 : i32
      %broadcast_in_dim3A_192 = vector.broadcast %jit3A_191 : i32 to vector<8x782x128xi32>
      %select_n3A_193 = arith.select %and3A_184, %add3A_190, %broadcast_in_dim3A_192 : vector<8x782x128xi1>, vector<8x782x128xi32>
      %reduce_max3A_194 = arith.constant dense<-2147483648> : vector<8xi32>
      %reduce_max3A_195 = vector.multi_reduction <maxsi>, %select_n3A_193, %reduce_max3A_194 [1, 2] : vector<8x782x128xi32> to vector<8xi32>
      %broadcast_in_dim3A_196 = vector.shape_cast %reduce_max3A_195 : vector<8xi32> to vector<8x1x1xi32>
      %jit3A_197 = arith.constant 1073741824 : i32
      %broadcast_in_dim3A_198 = vector.broadcast %jit3A_197 : i32 to vector<8x1x1xi32>
      %select_n3A_199 = arith.select %lt3A, %broadcast_in_dim3A_196, %broadcast_in_dim3A_198 : vector<8x1x1xi1>, vector<8x1x1xi32>
      scf.yield %select_n3A_199 : vector<8x1x1xi32>
    } else {
      %broadcast_in_dim3A_123 = arith.constant 1073741824 : i32
      %broadcast_in_dim3A_124 = vector.broadcast %broadcast_in_dim3A_123 : i32 to vector<8x1x1xi32>
      scf.yield %broadcast_in_dim3A_124 : vector<8x1x1xi32>
    }
    %iota3A_97 = tpu.iota {dimensions = array<i32: 2>} : vector<8x1x128xi32>
    %eq3A_98 = arith.constant 0 : i32
    %eq3A_99 = vector.broadcast %eq3A_98 : i32 to vector<8x1x128xi32>
    %eq3A_100 = arith.cmpi eq, %iota3A_97, %eq3A_99 : vector<8x1x128xi32>
    %eq3A_101 = arith.constant 1 : i32
    %eq3A_102 = vector.broadcast %eq3A_101 : i32 to vector<8x1x128xi32>
    %eq3A_103 = arith.cmpi eq, %iota3A_97, %eq3A_102 : vector<8x1x128xi32>
    %eq3A_104 = arith.constant 2 : i32
    %eq3A_105 = vector.broadcast %eq3A_104 : i32 to vector<8x1x128xi32>
    %eq3A_106 = arith.cmpi eq, %iota3A_97, %eq3A_105 : vector<8x1x128xi32>
    %convert_element_type3A_107 = arith.sitofp %cond3A_96 : vector<8x1x1xi32> to vector<8x1x1xf32>
    %jit3A_108 = arith.constant 0.000000e+00 : f32
    %broadcast_in_dim3A_109 = vector.shape_cast %convert_element_type3A_107 : vector<8x1x1xf32> to vector<8x1x1xf32>
    %broadcast_in_dim3A_110 = vector.broadcast %broadcast_in_dim3A_109 : vector<8x1x1xf32> to vector<8x1x128xf32>
    %broadcast_in_dim3A_111 = vector.broadcast %jit3A_108 : f32 to vector<8x1x128xf32>
    %select_n3A_112 = arith.select %eq3A_106, %broadcast_in_dim3A_110, %broadcast_in_dim3A_111 : vector<8x1x128xi1>, vector<8x1x128xf32>
    %broadcast_in_dim3A_113 = vector.shape_cast %add3A_82 : vector<8x1x1xf32> to vector<8x1x1xf32>
    %broadcast_in_dim3A_114 = vector.broadcast %broadcast_in_dim3A_113 : vector<8x1x1xf32> to vector<8x1x128xf32>
    %select_n3A_115 = arith.select %eq3A_103, %broadcast_in_dim3A_114, %select_n3A_112 : vector<8x1x128xi1>, vector<8x1x128xf32>
    %broadcast_in_dim3A_116 = vector.shape_cast %broadcast_in_dim3A_62 : vector<8x1x1xf32> to vector<8x1x1xf32>
    %broadcast_in_dim3A_117 = vector.broadcast %broadcast_in_dim3A_116 : vector<8x1x1xf32> to vector<8x1x128xf32>
    %select_n3A_118 = arith.select %eq3A_100, %broadcast_in_dim3A_117, %select_n3A_115 : vector<8x1x128xi1>, vector<8x1x128xf32>
    %swap3A_119 = arith.constant 0 : index
    %swap3A_120 = arith.constant 0 : index
    %swap3A_121 = arith.constant 0 : index
    %swap3A_122 = vector.load %arg2[%swap3A_119, %swap3A_120, %swap3A_121] : memref<8x1x128xf32, #tpu.memory_space<vmem>>, vector<8x1x128xf32>
    tpu.vector_store %arg2[%swap3A_119, %swap3A_120, %swap3A_121], %select_n3A_118 {strides = array<i32>} : memref<8x1x128xf32, #tpu.memory_space<vmem>>, vector<8x1x128xf32>,
    return
  }
  func.func @transform_0(%arg0: i32) -> (i32, i32, i32) {
    %c0_i32 = arith.constant 0 : i32
    %c0_i32_0 = arith.constant 0 : i32
    %c0_i32_1 = arith.constant 0 : i32
    return %arg0, %c0_i32, %c0_i32_0 : i32, i32, i32
  }
  func.func @transform_1(%arg0: i32) -> (i32, i32, i32) {
    %c0_i32 = arith.constant 0 : i32
    %c0_i32_0 = arith.constant 0 : i32
    %c0_i32_1 = arith.constant 0 : i32
    return %arg0, %c0_i32, %c0_i32_0 : i32, i32, i32
  }
}

module attributes {stable_mosaic.version = 14 : i64} {
  func.func @_apply_kernel(%arg0: i32, %arg1: memref<8x100000xf32, #tpu.memory_space<vmem>>, %arg2: memref<8x1x128xf32, #tpu.memory_space<vmem>>, %arg3: memref<8x100000xf32, #tpu.memory_space<vmem>>) attributes {dimension_semantics = [#tpu.dimension_semantics<arbitrary>], iteration_bounds = array<i64: 32>, scalar_prefetch = 0 : i64, scratch_operands = 0 : i64, tpu.core_type = #tpu.core_type<tc>, window_params = [{transform_indices = @transform_0, window_bounds = array<i64: 8, 100000>}, {transform_indices = @transform_1, window_bounds = array<i64: 8, 1, 128>}, {transform_indices = @transform_2, window_bounds = array<i64: 8, 100000>}]} {
    %get3A = arith.constant 0 : index
    %get3A_0 = arith.constant 0 : index
    %get3A_1 = vector.load %arg1[%get3A, %get3A_0] : memref<8x100000xf32, #tpu.memory_space<vmem>>, vector<8x100000xf32>
    %get3A_2 = arith.constant 0 : index
    %get3A_3 = arith.constant 0 : index
    %get3A_4 = arith.constant 0 : index
    %get3A_5 = vector.load %arg2[%get3A_2, %get3A_3, %get3A_4] : memref<8x1x128xf32, #tpu.memory_space<vmem>>, vector<8x1x128xf32>
    %slice3A = vector.extract_strided_slice %get3A_5 {offsets = [0, 0, 0], sizes = [8, 1, 1], strides = [1, 1, 1]} : vector<8x1x128xf32> to vector<8x1x1xf32>
    %squeeze3A = vector.shape_cast %slice3A : vector<8x1x1xf32> to vector<8x1xf32>
    %slice3A_6 = vector.extract_strided_slice %get3A_5 {offsets = [0, 0, 1], sizes = [8, 1, 1], strides = [1, 1, 1]} : vector<8x1x128xf32> to vector<8x1x1xf32>
    %squeeze3A_7 = vector.shape_cast %slice3A_6 : vector<8x1x1xf32> to vector<8x1xf32>
    %slice3A_8 = vector.extract_strided_slice %get3A_5 {offsets = [0, 0, 2], sizes = [8, 1, 1], strides = [1, 1, 1]} : vector<8x1x128xf32> to vector<8x1x1xf32>
    %squeeze3A_9 = vector.shape_cast %slice3A_8 : vector<8x1x1xf32> to vector<8x1xf32>
    %convert_element_type3A = arith.fptosi %squeeze3A_9 : vector<8x1xf32> to vector<8x1xi32>
    %iota3A = tpu.iota {dimensions = array<i32: 1>} : vector<8x100000xi32>
    %gt3A = vector.broadcast %squeeze3A : vector<8x1xf32> to vector<8x100000xf32>
    %gt3A_10 = arith.cmpf ogt, %get3A_1, %gt3A : vector<8x100000xf32>
    %eq3A = vector.broadcast %squeeze3A : vector<8x1xf32> to vector<8x100000xf32>
    %eq3A_11 = arith.cmpf oeq, %get3A_1, %eq3A : vector<8x100000xf32>
    %le3A = vector.broadcast %convert_element_type3A : vector<8x1xi32> to vector<8x100000xi32>
    %le3A_12 = arith.cmpi sle, %iota3A, %le3A : vector<8x100000xi32>
    %and3A = arith.andi %eq3A_11, %le3A_12 : vector<8x100000xi1>
    %or3A = arith.ori %gt3A_10, %and3A : vector<8x100000xi1>
    %sub3A = vector.broadcast %squeeze3A_7 : vector<8x1xf32> to vector<8x100000xf32>
    %sub3A_13 = arith.subf %get3A_1, %sub3A : vector<8x100000xf32>
    %jit3A = arith.constant 0xFF800000 : f32
    %broadcast_in_dim3A = vector.broadcast %jit3A : f32 to vector<8x100000xf32>
    %select_n3A = arith.select %or3A, %sub3A_13, %broadcast_in_dim3A : vector<8x100000xi1>, vector<8x100000xf32>
    %swap3A = arith.constant 0 : index
    %swap3A_14 = arith.constant 0 : index
    %swap3A_15 = vector.load %arg3[%swap3A, %swap3A_14] : memref<8x100000xf32, #tpu.memory_space<vmem>>, vector<8x100000xf32>
    tpu.vector_store %arg3[%swap3A, %swap3A_14], %select_n3A {strides = array<i32>} : memref<8x100000xf32, #tpu.memory_space<vmem>>, vector<8x100000xf32>,
    return
  }
  func.func @transform_0(%arg0: i32) -> (i32, i32) {
    %c0_i32 = arith.constant 0 : i32
    %c0_i32_0 = arith.constant 0 : i32
    return %arg0, %c0_i32 : i32, i32
  }
  func.func @transform_1(%arg0: i32) -> (i32, i32, i32) {
    %c0_i32 = arith.constant 0 : i32
    %c0_i32_0 = arith.constant 0 : i32
    %c0_i32_1 = arith.constant 0 : i32
    return %arg0, %c0_i32, %c0_i32_0 : i32, i32, i32
  }
  func.func @transform_2(%arg0: i32) -> (i32, i32) {
    %c0_i32 = arith.constant 0 : i32
    %c0_i32_0 = arith.constant 0 : i32
    return %arg0, %c0_i32 : i32, i32
  }
}

</mosaic_0001>

<sc_bundles>
// kernel: sparse-core-data-format-call.cloned.1.call-start
scs
called_computation_lowered:
.L_overlay_start_0:
0x0: {  	s2 =	sld [smem:$0x3FD9]  }
0x1: {  	s3 =	sld [smem:$0x3FFE];
	_ =	sdelay $0x1  }
0x2: {  	s1 =	srdreg.scid  }
0x3: {  	s0 =	sand.u32 $0x1, s1  }
0x4: {  	s18 =	sshll.u32 s0, $0xA;
	s2 =	sadd.s32 s3, s2  }
0x5: {  	s2 =	sadd.s32 s2, s18  }
0x6: {  	[smem:$0x3FC7] =	sst s2  }
0x7: {  	_ = 	snop  }
0x8: {  	s2 =	sld [smem:$0x3FC9];
	(tm) =	ssettm $0x1  }
0x9: {  	s19 =	sld [smem:$0x3FFB];
	_ =	sdelay $0x3  }
0xa: {  	_ =	strace s19  }
0xb: {  	s3 =	sld [smem:$0x3FFC];
	_ =	sdelay $0x3  }
0xc: {  	_ =	strace s3  }
0xd: {  	s3 =	sld [smem:$0x3FFD];
	_ =	sdelay $0x3  }
0xe: {  	_ =	strace s3  }
0xf: {  	_ =	strace $0x8FFFFFFF  }
0x10: {  	s20 =	sld [smem:$0x3FDB];
	_ =	sdelay $0x1  }
0x11: {  	s4 =	simm.s32 $_scs_section_size  }
0x12: {  	s5 =	simm.s32 $_size__tile_overlayer_lowered;
	s6 =	simm.s32 $_tile_overlayer_lowered  }
0x13: {  	s23 =	simm.s32 $0x1BFF;
	s22 =	sshll.u32 s6, $0x1;
	s3 =	sadd.s32 s4, s20  }
0x14: {  	s7 =	simm.s32 $0x0;
	s21 =	sshll.u32 s5, $0x1;
	s5 =	sadd.s32 s22, s3  }
0x15: {  	[timem:s7], [sflag:s23] =	dma.local [hbm:s5], s21  }
0x16: {  	_ =	swait.ge [sflag:s23], s21  }
0x17: {  	s4 =	ssub.s32 $0x0, s21;
	[sflag:s23] =	ssyncset.done $0x0  }
0x18: {  	[sflag:s23] =	ssyncadd.s32 s4;
	_ =	sdelay $0x1  }
0x19: {  	s24 =	simm.s32 $0x1B8B  }
0x1a: {  	_ =	swait.ge [sflag:s24], $0x1  }
0x1b: {  	[sflag:s24] =	ssyncset.done $0x0  }
0x1c: {  	s26 =	simm.s32 $0x1B8E;
	s25 =	sld [smem:$0x3FFE];
	[sflag:s24] =	ssyncadd.s32 $0xFFFFFFFF  }
0x1d: {  	s27 =	simm.s32 $execute0_lowered;
	[smem:$0x3FD2] =	sst s26  }
0x1e: {  	s5 =	sshll.u32 s27, $0x1;
	_ =	strace $0x80000046;
	[dreg:$0x1] =	wrdreg $0xFFFFFFFF  }
0x1f: {  	s28 =	simm.s32 $_size_execute0_lowered;
	s3 =	sadd.s32 s3, s5;
	[dreg:$0x0] =	wrdreg $0x0  }
0x20: {  	s5 =	sshll.u32 s28, $0x1;
	[dreg:$0x2] =	wrdreg s3  }
0x21: {  	[dreg:$0x3] =	wrdreg s5  }
0x22: {  	[dreg:$0x4] =	wrdreg $0xC0  }
0x23: {  	_ =	task [dreg:s7], $0x5FFFF  }
0x24: {  	[dreg:$0x1] =	wrdreg $0xFFFFFFFF  }
0x25: {  	[dreg:$0x0] =	wrdreg $0x60  }
0x26: {  	[dreg:$0x2] =	wrdreg s2  }
0x27: {  	[dreg:$0x3] =	wrdreg s25  }
0x28: {  	[dreg:$0x4] =	wrdreg $0x9  }
0x29: {  	_ =	task.clear_ibuf [dreg:s7], $0x5FFFF;
	_ =	strace $0x90000046  }
0x2a: {  	s29 =	simm.s32 $0x9;
	_ =	strace $0x80000048  }
0x2b: {  	_ =	swait.ge [sflag:s29], $0x1  }
0x2c: {  	[sflag:s29] =	ssyncadd.s32 $0xFFFFFFFF  }
0x2d: {  	_ =	strace $0x90000048  }
0x2e: {  	_ =	sfence  }
0x2f: {  	s30 =	sld [smem:$0x0];
	_ =	sdelay $0x2  }
0x30: {  	s31 =	sshll.u32 s1, $0xD;
	s1 =	sshrl.u32 s1, $0x2  }
0x31: {  	s3 =	sand.u32 $0x4000, s31;
	s1 =	sadd.s32 s1, s30  }
0x32: {  	s0 =	sor.u32 s3, s0;
	s1 =	sshll.u32 s1, $0x11  }
0x33: {  	s0 =	sor.u32 s1, s0  }
0x34: {  	s0 =	sadd.s32 $0x8F2B, s0  }
0x35: {  	[sflag:s0] =	ssyncadd.remote.s32 $0x1  }
0x36: {  	_ =	sfence.sel $0xFFFF  }
0x37: {  	[dreg:$0x0] =	wrdreg $0xFFFFFFFF;
	(pc) =	sbr.abs _section_cstart, $3  }
0x38: {  	[dreg:$0x1] =	wrdreg $0xFFFFFFFF  }
0x39: {  	_ =	task.clear_ibuf [dreg:s7], $0x2FFFF;
	_ =	strace $0x9FFFFFFF  }
0x3a: {  	(tm) =	ssettm $0x7FFFFFFF  }
0x3b: {  	_ =	shalt  }
tec
execute0_lowered:
.L_overlay_start_1:
0x0: {  	(tag) =	ssettag $0x1  }
0x1: {  	s0 =	stileid.u32  }
0x2: {  	s1 =	srdreg.scid;
	s7 =	rddreg [dreg:$0x1];
	s31 =	simm.s32 $0x2  }
0x3: {  	s16 =	simm.s32 $0x0;
	p0 =	por $0x0, $0x0;
	s9 =	simm.s32 $0x800  }
0x4: {  	s15 =	simm.s32 $0x0;
	s10 =	simm.s32 $0x0;
	s11 =	simm.s32 $0x0  }
0x5: {  	s2 =	sshll.u32 s0, $0x7;
	s3 =	sshll.u32 s0, $0x6;
	s4 =	sshll.u32 s1, $0xA  }
0x6: {  	s14 =	simm.s32 $0x0;
	s1 =	sand.u32 $0x80, s2;
	s29 =	sor.u32 s3, s4  }
0x7: {  	s3 =	rddreg [dreg:$0x0];
	s4 =	sand.u32 $0x780, s29;
	s30 =	ssub.s32 $0x100, s1  }
0x8: {  	s5 =	sshrl.u32 s30, $0x7;
	s6 =	ssub.s32 $0x18680, s4;
	s8 =	sshrl.u32 s30, $0x8  }
.Ltmp0:
0x9: {  	s5 =	sand.u32 $0x1, s5;
	s6 =	sshrl.u32 s6, $0xB;
	(pc) =	sbr.rel .LBB1_1-.Ltmp0, $4  }
0xa: {  	s2 =	rddreg [dreg:$0x2];
	s8 =	sadd.s32 s8, s5;
	s6 =	sadd.s32 $0x1, s6  }
0xb: {  	_ =	strace $0x80000047;
	s5 =	simm.s32 $0x1;
	s6 =	smul.u32 s8, s6  }
0xc: {  	s7 =	sadd.s32 $0x400, s7;
	s13 =	smov.u32 s1;
	[sflag:s5] =	ssyncpa.u1 $0x0  }
0xd: {  	s12 =	smov.u32 s4;
	[sflag:s31] =	ssyncpa.u1 $0x0;
	s8 =	sadd.s32 $0x1, s6  }
.LBB1_4:
0xe: {  	s21 =	sshra.s32 s21, $0x2;
	s22 =	sshll.u32 s10, $0x8  }
0xf: {  	s23 =	sshll.u32 s11, $0x3;
	s24 =	sshll.u32 s10, $0x7;
	s27 =	sand.u32 $0x78, s11  }
0x10: {  	p1 =	sgt.s32 s10, $0x18620;
	s22 =	sand.u32 $0xFFFFF800, s22;
	s23 =	sand.u32 $0xFFFFFC00, s23  }
0x11: {  	s20 =	sadd.s32 s21, s20;
	s26 =	sand.u32 $0x300, s24;
	s28 =	sand.u32 $0x80, s24  }
0x12: {  	v5 =	vld [tilespmem:s18+$0xFFFFFFD0];
	[tilespmem:s19+$0x2040 ss:$0x81] =	vst.msk $0xffff, v4;
	s25 =	sadd.s32 s23, s22;
	s22 =	sor.u32 s27, s28;
	s23 =	smov.u32 s10  }
0x13: {  	v58 =	vld [tilespmem:s18+$0xFFFFFFE0];
	[tilespmem:s19+$0x2850 ss:$0x81] =	vst.msk $0xffff, v3;
	s21 =	sor.u32 s26, s25;
	s23 =	simm.s32 @!p1 $0x18620;
	s25 =	sshra.s32 s10, $0x1F  }
0x14: {  	v59 =	vld [tilespmem:s18+$0xFFFFFFF0];
	[tilespmem:s19+$0x3060 ss:$0x81] =	vst.msk $0xffff, v2;
	p1 =	sgt.s32 s11, $0x80;
	s26 =	sshra.s32 s11, $0x1F;
	s21 =	sshrl.u32 s21, $0x8  }
0x15: {  	v60 =	vld [tilespmem:s18+$0x0];
	[tilespmem:s19+$0x0 ss:$0x81] =	vst.msk $0xffff, v1;
	s30 =	sand.u32 s25, s10;
	s25 =	smov.u32 s11;
	s31 =	sand.u32 s26, s11  }
0x16: {  	v61 =	vld [tilespmem:s18+$0x10];
	[tilespmem:s20+$0x3870 ss:$0x81] =	vst.msk $0xffff, v0;
	s29 =	smulhi.u32 $0x14F8B59, s21;
	s19 =	ssub.s32 s23, s30;
	s25 =	simm.s32 @!p1 $0x80  }
0x17: {  	v62 =	vld [tilespmem:s18+$0x20];
	[tilespmem:s20+$0x810 ss:$0x81] =	vst.msk $0xffff, v5;
	s23 =	ssub.s32 s25, s31;
	s26 =	sadd.s32 $0xFFFE79E0, s19;
	s19 =	ssub.s32 $0x186A0, s19  }
0x18: {  	v63 =	vld [tilespmem:s18+$0xFFFFFFC0];
	[tilespmem:s20+$0x1020 ss:$0x81] =	vst.msk $0xffff, v58;
	s24 =	sshrl.u32 s29, $0x9;
	p1 =	sgt.s32 s26, $0x7F;
	s28 =	sadd.s32 $0xFFFFFF80, s23  }
0x19: {  	[tilespmem:s20+$0x1830 ss:$0x81] =	vst.msk $0xffff, v59;
	s23 =	ssub.s32 $0x100, s23;
	s27 =	smul.u32 $0x186A0, s24;
	p2 =	sgt.s32 s28, $0x7F  }
0x1a: {  	[tilespmem:s20+$0x2040 ss:$0x81] =	vst.msk $0xffff, v60;
	s30 =	sand.u32 $0x7, s11;
	s19 =	simm.s32 @p1 $0x0;
	s23 =	simm.s32 @p2 $0x0  }
0x1b: {  	[tilespmem:s20+$0x2850 ss:$0x81] =	vst.msk $0xffff, v61;
	s29 =	sshrl.u32 s22, $0x3;
	s18 =	ssub.s32 s21, s27;
	s19 =	smul.u32 s23, s19  }
0x1c: {  	[tilespmem:s20+$0x3060 ss:$0x81] =	vst.msk $0xffff, v62;
	s22 =	sshll.u32 s30, $0x12;
	s21 =	sadd.s32 s7, s29;
	s18 =	sshll.u32 s18, $0x5  }
0x1d: {  	[tilespmem:s20+$0x0 ss:$0x81] =	vst.msk $0xffff, v63;
	s31 =	sor.u32 $0x400, s22;
	s19 =	sand.u32 $0x3FFFFFFF, s19;
	s18 =	sadd.s32 s18, s21  }
0x1e: {  	[hbm4b:s18+s31] =	stream.strided.scatter [tilespmem:s17], [sflag:$0x2], s19, s9, s31, $0x20;
	[tilespmem:$0x10100] =	vst v63  }
.LBB1_5:
0x1f: {  	p1 =	slt.u32 s14, $0x2  }
0x20: {  	s18 =	smov.u32 s16;
	p2 =	sgt.s32 @!p1 s16, $0x18620;
	s17 =	sshra.s32 @!p1 s16, $0x1F  }
0x21: {  	p3 =	sgt.s32 @!p1 s15, $0x80;
	s19 =	sshra.s32 @!p1 s15, $0x1F;
	p2 =	por !p2, p1  }
0x22: {  	s16 =	sand.u32 @!p1 s17, s16;
	p3 =	por !p3, p1;
	s17 =	smov.u32 s15  }
0x23: {  	s15 =	sand.u32 @!p1 s19, s15;
	s18 =	simm.s32 @p2 $0x18620;
	s17 =	simm.s32 @p3 $0x80  }
0x24: {  	s16 =	ssub.s32 @!p1 s18, s16;
	s15 =	ssub.s32 @!p1 s17, s15  }
0x25: {  	s19 =	smov.u32 s13;
	s17 =	sadd.s32 @!p1 $0xFFFE79E0, s16;
	s18 =	sadd.s32 @!p1 $0xFFFFFF80, s15  }
0x26: {  	s16 =	ssub.s32 @!p1 $0x186A0, s16;
	p2 =	sgt.s32 @!p1 s17, $0x7F;
	p3 =	sgt.s32 @!p1 s18, $0x7F  }
0x27: {  	s15 =	ssub.s32 @!p1 $0x100, s15;
	p2 =	por !p2, p1;
	p3 =	por !p3, p1  }
0x28: {  	s17 =	sadd.s32 $0x800, s12;
	s16 =	simm.s32 @!p2 $0x0;
	s15 =	simm.s32 @!p3 $0x0  }
0x29: {  	p2 =	sgt.s32 s17, $0x1869F;
	s15 =	smul.u32 @!p1 s15, s16;
	s16 =	sadd.s32 $0x100, s13  }
0x2a: {  	s19 =	smov.u32 @p2 s16  }
0x2b: {  	s17 =	smov.u32 @p2 s4;
	p2 =	sgt.s32 s19, $0xFF  }
0x2c: {  	s19 =	smov.u32 @p2 s1;
	p2 =	sne.s32 s14, s8  }
.Ltmp1:
0x2d: {  	p0 =	por !p0, !p0;
	s18 =	simm.s32 @!p1 $0x2;
	(pc) =	sbr.rel @!p2 .LBB1_6-.Ltmp1, $4  }
0x2e: {  	s16 =	smov.u32 s10;
	s10 =	smov.u32 s12;
	s15 =	sand.u32 @!p1 $0x3FFFFFFF, s15  }
0x2f: {  	s12 =	smov.u32 s17;
	_ =	swait.ge @!p1 [sflag:s18], s15;
	s20 =	ssub.s32 @!p1 $0x0, s15  }
0x30: {  	s15 =	smov.u32 s11;
	s14 =	sadd.s32 $0x1, s14;
	[sflag:s18] =	ssyncset.done @!p1 $0x0  }
0x31: {  	s11 =	smov.u32 s13;
	s13 =	smov.u32 s19;
	[sflag:s18] =	ssyncadd.s32 @!p1 s20  }
.LBB1_1:
0x32: {  	p1 =	sge.u32 s14, s6  }
0x33: {  	s17 =	sshrl.u32 @!p1 s13, $0x3  }
0x34: {  	s18 =	sshll.u32 @!p1 s12, $0x3;
	s17 =	smul.u32 @!p1 $0xC3800, s17  }
0x35: {  	s19 =	sshll.u32 @!p1 s13, $0x7;
	s18 =	sand.u32 @!p1 $0xFFFFFC00, s18  }
0x36: {  	s17 =	sadd.s32 @!p1 s17, s18;
	s18 =	sand.u32 @!p1 $0x380, s19  }
0x37: {  	s19 =	sand.u32 @!p1 $0x7F, s12;
	s17 =	sor.u32 @!p1 s18, s17  }
0x38: {  	s18 =	sor.u32 @!p1 s19, s17  }
0x39: {  	s19 =	smulhi.u32 @!p1 $0xA79C7B17, s18;
	_ =	sdelay $0x1  }
0x3a: {  	s17 =	smulhi.u32 @!p1 $0xA79C7B17, s17;
	s19 =	sshrl.u32 @!p1 s19, $0x10  }
0x3b: {  	s19 =	smul.u32 @!p1 $0x18700, s19  }
0x3c: {  	s31 =	sadd.s32 $0xFFFFFFFF, s14;
	s20 =	sxor.u32 @!p1 $0xFFFFFFFF, s14;
	s17 =	sshrl.u32 @!p1 s17, $0x10  }
0x3d: {  	s20 =	sshll.u32 @!p1 s20, $0xE;
	s17 =	sand.u32 @!p1 $0xFF, s17;
	s18 =	ssub.s32 @!p1 s18, s19  }
0x3e: {  	s17 =	smul.u32 @!p1 $0x30E0, s17;
	s19 =	sshrl.u32 @!p1 s18, $0x3;
	s18 =	sand.u32 @!p1 $0x7, s18  }
0x3f: {  	s20 =	sand.u32 @!p1 $0x4000, s20;
	s19 =	sadd.s32 @!p1 s3, s19;
	s18 =	sshll.u32 @!p1 s18, $0x12  }
0x40: {  	s17 =	sadd.s32 @!p1 s17, s19;
	s18 =	sor.u32 @!p1 $0x400, s18;
	s19 =	simm.s32 @!p1 $0xC3800  }
0x41: {  	[tilespmem:s20], [sflag:$0x1] =	stream.strided.gather @!p1 [hbm4b:s17+s18], $0x4000, s19, s18, $0x38;
	[tilespmem:$0x10100] =	vst v63  }
0x42: {  	p1 =	sge.u32 s31, s6  }
.Ltmp2:
0x43: {  	_ = 	snop;
	(pc) =	sbr.rel @p1 .LBB1_5-.Ltmp2, $1  }
0x44: {  	_ =	sdelay $0x3  }
0x45: {  	s17 =	simm.s32 $0x1  }
0x46: {  	_ =	swait.ge [sflag:s5], $0x4000;
	s17 =	simm.s32 @!p0 $0x0  }
0x47: {  	[sflag:s5] =	ssyncset.done $0x0;
	s18 =	sshll.u32 s17, $0xE  }
0x48: {  	[sflag:s5] =	ssyncadd.s32 $0xFFFFC000;
	s18 =	sor.u32 $0x40, s18  }
0x49: {  	s17 =	smul.u32 $0x10200, s17;
	v0 =	vld [tilespmem:s18+$0x30]  }
0x4a: {  	v1 =	vld [tilespmem:s18+$0xFFFFFFD0]  }
0x4b: {  	s17 =	sshrl.u32 s17, $0x2;
	v5 =	vld [tilespmem:s18+$0xFFFFFFE0]  }
0x4c: {  	v6 =	vld [tilespmem:s18+$0xFFFFFFF0];
	s20 =	sor.u32 $0x8000, s17  }
0x4d: {  	s31 =	sand.u32 $0x1, s14;
	v4 =	vld [tilespmem:s18+$0x0];
	s19 =	sadd.s32 $0x0, s20  }
0x4e: {  	v3 =	vld [tilespmem:s18+$0x10];
	s17 =	smul.u32 $0x10200, s31;
	[tilespmem:s19+$0x3870 ss:$0x81] =	vst.msk $0xffff, v0  }
0x4f: {  	v2 =	vld [tilespmem:s18+$0x20];
	[tilespmem:s19+$0x810 ss:$0x81] =	vst.msk $0xffff, v1  }
0x50: {  	s17 =	sshrl.u32 s17, $0x2;
	v1 =	vld [tilespmem:s18+$0xFFFFFFC0];
	[tilespmem:s19+$0x1020 ss:$0x81] =	vst.msk $0xffff, v5;
	s18 =	sadd.s32 $0x80, s18  }
0x51: {  	s21 =	simm.s32 $0x4;
	s22 =	simm.s32 $0x8;
	s17 =	sor.u32 $0x8000, s17;
	[tilespmem:s19+$0x1830 ss:$0x81] =	vst.msk $0xffff, v6;
	v0 =	vld [tilespmem:s18+$0x30]  }
.LBB1_3:
0x52: {  	p1 =	sne.s32 s22, $0x1FC;
	v5 =	vld [tilespmem:s18+$0xFFFFFFD0];
	[tilespmem:s19+$0x2040 ss:$0x81] =	vst.msk $0xffff, v4  }
0x53: {  	v6 =	vld [tilespmem:s18+$0xFFFFFFE0];
	[tilespmem:s19+$0x2850 ss:$0x81] =	vst.msk $0xffff, v3  }
0x54: {  	s23 =	sshra.s32 s21, $0x2;
	s21 =	smov.u32 s22;
	v7 =	vld [tilespmem:s18+$0xFFFFFFF0];
	[tilespmem:s19+$0x3060 ss:$0x81] =	vst.msk $0xffff, v2  }
.Ltmp3:
0x55: {  	v4 =	vld [tilespmem:s18+$0x0];
	[tilespmem:s19+$0x0 ss:$0x81] =	vst.msk $0xffff, v1;
	s19 =	sadd.s32 s23, s20;
	(pc) =	sbr.rel @p1 .LBB1_3-.Ltmp3, $4  }
0x56: {  	v3 =	vld [tilespmem:s18+$0x10];
	[tilespmem:s19+$0x3870 ss:$0x81] =	vst.msk $0xffff, v0  }
0x57: {  	[tilespmem:s19+$0x810 ss:$0x81] =	vst.msk $0xffff, v5;
	v2 =	vld [tilespmem:s18+$0x20]  }
0x58: {  	v1 =	vld [tilespmem:s18+$0xFFFFFFC0];
	[tilespmem:s19+$0x1020 ss:$0x81] =	vst.msk $0xffff, v6;
	s18 =	sadd.s32 $0x80, s18  }
0x59: {  	s22 =	sadd.s32 $0x4, s22;
	v0 =	vld [tilespmem:s18+$0x30];
	[tilespmem:s19+$0x1830 ss:$0x81] =	vst.msk $0xffff, v7  }
.Ltmp4:
0x5a: {  	_ = 	snop;
	(pc) =	sbr.rel .LBB1_4-.Ltmp4, $1  }
0x5b: {  	_ =	sdelay $0x3  }
.LBB1_6:
0x5c: {  	_ =	sfence.sel $0x180000  }
0x5d: {  	s1 =	simm.s32 $0x1;
	[bflag:$0x0] =	sbarrier.arrive $0xFFFF  }
0x5e: {  	s31 =	simm.s32 $0x2;
	[sflag:s1] =	ssyncpa.u1 $0x1  }
0x5f: {  	[sflag:s31] =	ssyncpa.u1 $0x1  }
0x60: {  	p0 =	sne.s32 s0, $0x0;
	_ =	strace $0x90000047  }
0x61: {  	s0 =	sadd.s32 @!p0 $0x100000, s2;
	[bflag:$0x2] =	sbarrier.arrive $0xFFFF  }
0x62: {  	[sflag:s0] =	ssyncadd.tile.s32 @!p0 $0x1;
	_ =	shalt  }
.Lfunc_end1:
_tile_overlayer_lowered:
.L_overlay_start_2:
0x63: {  	(tag) =	ssettag $0x2  }
0x64: {  	s0 =	rddreg [dreg:$0x0];
	s2 =	stileid.u32  }
0x65: {  	s1 =	rddreg [dreg:$0x1];
	p0 =	sne.s32 s2, $0x0  }
0x66: {  	s3 =	rddreg [dreg:$0x2];
	[bflag:$0x3] =	sbarrier.arrive $0xFFFF;
	s2 =	simm.s32 @!p0 $0x1C01  }
0x67: {  	[timem:s3], [sflag:s2] =	dma.local @!p0 [hbm:s0], s1  }
0x68: {  	s0 =	simm.s32 @!p0 $0x1  }
0x69: {  	_ =	swait.ge @!p0 [sflag:s0], s1  }
0x6a: {  	s1 =	ssub.s32 @!p0 $0x0, s1;
	[sflag:s0] =	ssyncset.done @!p0 $0x0  }
0x6b: {  	[sflag:s0] =	ssyncadd.s32 @!p0 s1  }
0x6c: {  	[bflag:$0x3] =	sbarrier.arrive $0xFFFF  }
0x6d: {  	_ =	shalt  }

</sc_bundles>
